<compile_context>
chip_gen: v7x
topology: tpu7x:2x2x1
jax: 0.10.2.dev20260603
libtpu: 0.0.44.dev20260713+nightly
codegen_flags: <defaults>
</compile_context>

<pallas_src>
import functools

import jax
import jax.numpy as jnp
from jax.experimental import pallas as pl
from jax.experimental.pallas import tpu as pltpu
from jax.experimental.pallas import tpu_sc as plsc

N = 50000
D = 512
H = 256
G = 128

B = 2000
NB = N // B

_LANES = 16
_CHUNK = 1568
_LAST = N - _CHUNK


def _k1_body(x_ref, b_ref, wcat_ref, bcat_ref, w2_ref,
             scores_ref, m_ref, emb_ref,
             m_sc, s_sc, acc_sc):
    i = pl.program_id(0)

    @pl.when(i == 0)
    def _init():
        m_sc[...] = jnp.full((1, G), -jnp.inf, jnp.float32)
        s_sc[...] = jnp.zeros((1, G), jnp.float32)
        acc_sc[...] = jnp.zeros((G, D), jnp.float32)

    y = jnp.dot(x_ref[...].astype(jnp.bfloat16), wcat_ref[...],
                preferred_element_type=jnp.float32)
    y = jnp.maximum(y + bcat_ref[...], 0.0)
    g1 = y[:, :H]
    f = y[:, H:]
    score = jnp.sum(g1 * w2_ref[...], axis=1)
    scores_ref[0, 0, :] = score

    seg = b_ref[0, 0, :]
    onehot = seg[:, None] == jax.lax.broadcasted_iota(jnp.int32, (B, G), 1)
    m_old = m_sc[...][0]
    m_blk = jnp.max(jnp.where(onehot, score[:, None], -jnp.inf), axis=0)
    m_new = jnp.maximum(m_old, m_blk)
    scale = jnp.where(m_old > -jnp.inf, jnp.exp(m_old - m_new), 0.0)
    e = jnp.where(onehot, jnp.exp(score[:, None] - m_new[None, :]), 0.0)
    s_sc[...] = (s_sc[...][0] * scale + jnp.sum(e, axis=0))[None, :]
    acc_sc[...] = acc_sc[...] * scale[:, None] + jax.lax.dot_general(
        e.astype(jnp.bfloat16), f.astype(jnp.bfloat16),
        (((0,), (0,)), ((), ())), preferred_element_type=jnp.float32)
    m_sc[...] = m_new[None, :]

    @pl.when(i == NB - 1)
    def _fin():
        sden = s_sc[...]
        m_ref[...] = m_sc[...] + jnp.log(sden)
        scol = sden[0][:, None]
        emb_ref[...] = jnp.where(scol > 0.0, acc_sc[...] / scol, 0.0)


def _run_k1(x, batch, wcat, bcat, w2):
    return pl.pallas_call(
        _k1_body,
        grid=(NB,),
        in_specs=[
            pl.BlockSpec((B, D), lambda i: (i, 0)),
            pl.BlockSpec((1, 1, B), lambda i: (i, 0, 0)),
            pl.BlockSpec((D, H + D), lambda i: (0, 0)),
            pl.BlockSpec((1, H + D), lambda i: (0, 0)),
            pl.BlockSpec((1, H), lambda i: (0, 0)),
        ],
        out_specs=[
            pl.BlockSpec((1, 1, B), lambda i: (i, 0, 0)),
            pl.BlockSpec((1, G), lambda i: (0, 0)),
            pl.BlockSpec((G, D), lambda i: (0, 0)),
        ],
        out_shape=[
            jax.ShapeDtypeStruct((NB, 1, B), jnp.float32),
            jax.ShapeDtypeStruct((1, G), jnp.float32),
            jax.ShapeDtypeStruct((G, D), jnp.float32),
        ],
        scratch_shapes=[
            pltpu.VMEM((1, G), jnp.float32),
            pltpu.VMEM((1, G), jnp.float32),
            pltpu.VMEM((G, D), jnp.float32),
        ],
        compiler_params=pltpu.CompilerParams(
            dimension_semantics=("arbitrary",)),
    )(x, batch.reshape(NB, 1, B), wcat, bcat, w2)


def _sc_alpha(scores, batch, c):
    info = plsc.get_sparse_core_info()
    nc = info.num_cores
    mesh = plsc.VectorSubcoreMesh(core_axis_name="c", subcore_axis_name="s")

    @functools.partial(
        pl.kernel,
        mesh=mesh,
        out_type=jax.ShapeDtypeStruct((N,), jnp.float32),
        scratch_types=[
            pltpu.VMEM((_CHUNK,), jnp.float32),
            pltpu.VMEM((_CHUNK,), jnp.int32),
            pltpu.VMEM((_CHUNK,), jnp.float32),
            pltpu.VMEM((_CHUNK,), jnp.float32),
            pltpu.VMEM_SHARED((G,), jnp.float32),
            pltpu.SemaphoreType.DMA,
        ],
    )
    def k(scores_hbm, batch_hbm, c_hbm, out_hbm,
          sc_v, b_v, cg_v, a_v, c_sh, sem0):
        sid = jax.lax.axis_index("s")
        wid = sid * nc + jax.lax.axis_index("c")
        base = jnp.minimum(wid * _CHUNK, _LAST)

        @pl.when(sid == 0)
        def _stage():
            pltpu.sync_copy(c_hbm, c_sh)

        pltpu.sync_copy(scores_hbm.at[pl.ds(base, _CHUNK)], sc_v)
        pltpu.sync_copy(batch_hbm.at[pl.ds(base, _CHUNK)], b_v)
        plsc.subcore_barrier()

        pltpu.async_copy(c_sh.at[b_v], cg_v, sem0).wait()

        def body(j, carry):
            sl = pl.ds(j * _LANES, _LANES)
            a_v[sl] = jnp.exp(sc_v[sl] - cg_v[sl])
            return carry

        jax.lax.fori_loop(0, _CHUNK // _LANES, body, 0)
        pltpu.sync_copy(a_v, out_hbm.at[pl.ds(base, _CHUNK)])

    return k(scores, batch, c)


def kernel(x, batch, W1g, b1g, W2g, b2g, Wf, bf):
    wcat = jnp.concatenate([W1g, Wf], axis=1).astype(jnp.bfloat16)
    bcat = jnp.concatenate([b1g, bf])[None, :]
    w2 = W2g.reshape(1, H)
    scores3, c2, emb = _run_k1(x, batch, wcat, bcat, w2)
    alpha = _sc_alpha(scores3.reshape(N), batch, c2.reshape(G))
    return emb, alpha

# --- scband reference (transcript-rebuilt; emitter-appended) ---
"""Pipeline reference for scband-attention-pooling-15994458210502 (READ-ONLY COPY).

The authoritative reference and input builder live on the scoring server;
editing this copy changes nothing except your own understanding.
"""

import jax, jax.numpy as jnp
import numpy as np

N = 50000
D = 512
H = 256
G = 128


def setup_inputs(seed: int = 0) -> dict:
    key = jax.random.key(seed)
    ks = jax.random.split(key, 6)
    x = jax.random.normal(ks[0], (N, D), dtype=jnp.float32)
    batch = jnp.sort(jax.random.randint(ks[1], (N,), 0, G)).astype(jnp.int32)

    def init_w(k, shape, fan_in):
        return jax.random.normal(k, shape, dtype=jnp.float32) * (1.0 / np.sqrt(fan_in))

    W1g = init_w(ks[2], (D, H), D)
    b1g = jnp.zeros((H,), jnp.float32)
    W2g = init_w(ks[3], (H, 1), H)
    b2g = jnp.zeros((1,), jnp.float32)
    Wf = init_w(ks[4], (D, D), D)
    bf = jnp.zeros((D,), jnp.float32)
    return {"x": x, "batch": batch, "W1g": W1g, "b1g": b1g, "W2g": W2g, "b2g": b2g, "Wf": Wf, "bf": bf}


def reference(x, batch, W1g, b1g, W2g, b2g, Wf, bf):
    # gate_nn: Linear(D, D//2) -> ReLU -> Linear(D//2, 1)
    gate = jnp.maximum(x @ W1g + b1g, 0.0) @ W2g + b2g  # [N, 1]
    scores = gate[:, 0]  # [N]
    # per-graph softmax (numerically stable, as in GlobalAttention / _softmax_per_graph)
    seg_max = jax.ops.segment_max(scores, batch, num_segments=G)
    seg_max = jnp.where(jnp.isfinite(seg_max), seg_max, 0.0)
    ex = jnp.exp(scores - seg_max[batch])
    seg_sum = jax.ops.segment_sum(ex, batch, num_segments=G)
    alpha = ex / seg_sum[batch]  # [N]
    # feat_nn: Linear(D, D) -> ReLU
    feat = jnp.maximum(x @ Wf + bf, 0.0)  # [N, D]
    # weighted sum per graph
    graph_embedding = jax.ops.segment_sum(alpha[:, None] * feat, batch, num_segments=G)  # [G, D]
    attention_scores = alpha  # identical recomputation in the original forward
    return graph_embedding, attention_scores

if __name__ == "__main__":
    import jax
    _d = setup_inputs()
    print(jax.jit(kernel)(*tuple(_d.values())))

</pallas_src>

<mosaic_0001>
#map = affine_map<(d0, d1) -> (0)>
module attributes {stable_mosaic.version = 14 : i64} {
  func.func @k(%arg0: i32, %arg1: i32, %arg2: memref<50000xf32, #tpu.memory_space<hbm>>, %arg3: memref<50000xi32, #tpu.memory_space<hbm>>, %arg4: memref<128xf32, #tpu.memory_space<hbm>>, %arg5: memref<50000xf32, #tpu.memory_space<hbm>>, %arg6: memref<1568xf32, #tpu.memory_space<vmem>>, %arg7: memref<1568xi32, #tpu.memory_space<vmem>>, %arg8: memref<1568xf32, #tpu.memory_space<vmem>>, %arg9: memref<1568xf32, #tpu.memory_space<vmem>>, %arg10: memref<128xf32, #tpu.memory_space<vmem_shared>>, %arg11: memref<!tpu.dma_semaphore, #tpu.memory_space<semaphore_mem>>) attributes {dimension_semantics = [#tpu.dimension_semantics<core_parallel>, #tpu.dimension_semantics<subcore_parallel>], iteration_bounds = array<i64: 2, 16>, scalar_prefetch = 0 : i64, scratch_operands = 6 : i64, tpu.core_type = #tpu.core_type<sc_vector_subcore>, window_params = [{transform_indices = #map}, {transform_indices = #map}, {transform_indices = #map}, {transform_indices = #map}]} {
    %mul3A = arith.constant 2 : i32
    %mul3A_0 = arith.muli %arg1, %mul3A : i32
    %add3A = arith.addi %mul3A_0, %arg0 : i32
    %mul3A_1 = arith.constant 1568 : i32
    %mul3A_2 = arith.muli %add3A, %mul3A_1 : i32
    %min3A = arith.constant 48432 : i32
    %min3A_3 = arith.minsi %mul3A_2, %min3A : i32
    %eq3A = arith.constant 0 : i32
    %eq3A_4 = arith.cmpi eq, %arg1, %eq3A : i32
    %convert_element_type3A = arith.extui %eq3A_4 : i1 to i32
    %cond3A = arith.constant 0 : i32
    %cond3A_5 = arith.cmpi ne, %convert_element_type3A, %cond3A : i32
    scf.if %cond3A_5 {
      "tpu.region"() ({
        %run_scoped3A = tpu.sem_alloc : memref<!tpu.dma_semaphore, #tpu.memory_space<semaphore_mem>>
        tpu.enqueue_dma source(%arg4 : memref<128xf32, #tpu.memory_space<hbm>>) target(%arg10 : memref<128xf32, #tpu.memory_space<vmem_shared>>) target_semaphore(%run_scoped3A : memref<!tpu.dma_semaphore, #tpu.memory_space<semaphore_mem>>)
        tpu.wait_dma2 semaphore(%run_scoped3A : memref<!tpu.dma_semaphore, #tpu.memory_space<semaphore_mem>>) src(%arg4 : memref<128xf32, #tpu.memory_space<hbm>>) dst(%arg10 : memref<128xf32, #tpu.memory_space<vmem_shared>>)
        tpu.yield
      }) : () -> ()
    } else {
    }
    "tpu.region"() ({
      %run_scoped3A = tpu.sem_alloc : memref<!tpu.dma_semaphore, #tpu.memory_space<semaphore_mem>>
      %dma_start3A_13 = tpu.memref_slice %arg2[%min3A_3] : memref<50000xf32, #tpu.memory_space<hbm>> -> memref<1568xf32, #tpu.memory_space<hbm>>
      %dma_start3A_14 = tpu.memref_slice %arg2[%min3A_3] : memref<50000xf32, #tpu.memory_space<hbm>> -> memref<1568xf32, #tpu.memory_space<hbm>>
      tpu.enqueue_dma source(%dma_start3A_14 : memref<1568xf32, #tpu.memory_space<hbm>>) target(%arg6 : memref<1568xf32, #tpu.memory_space<vmem>>) target_semaphore(%run_scoped3A : memref<!tpu.dma_semaphore, #tpu.memory_space<semaphore_mem>>)
      %dma_wait3A_15 = tpu.memref_slice %arg2[%min3A_3] : memref<50000xf32, #tpu.memory_space<hbm>> -> memref<1568xf32, #tpu.memory_space<hbm>>
      %dma_wait3A_16 = tpu.memref_slice %arg2[%min3A_3] : memref<50000xf32, #tpu.memory_space<hbm>> -> memref<1568xf32, #tpu.memory_space<hbm>>
      tpu.wait_dma2 semaphore(%run_scoped3A : memref<!tpu.dma_semaphore, #tpu.memory_space<semaphore_mem>>) src(%dma_wait3A_16 : memref<1568xf32, #tpu.memory_space<hbm>>) dst(%arg6 : memref<1568xf32, #tpu.memory_space<vmem>>)
      tpu.yield
    }) : () -> ()
    "tpu.region"() ({
      %run_scoped3A = tpu.sem_alloc : memref<!tpu.dma_semaphore, #tpu.memory_space<semaphore_mem>>
      %dma_start3A_13 = tpu.memref_slice %arg3[%min3A_3] : memref<50000xi32, #tpu.memory_space<hbm>> -> memref<1568xi32, #tpu.memory_space<hbm>>
      %dma_start3A_14 = tpu.memref_slice %arg3[%min3A_3] : memref<50000xi32, #tpu.memory_space<hbm>> -> memref<1568xi32, #tpu.memory_space<hbm>>
      tpu.enqueue_dma source(%dma_start3A_14 : memref<1568xi32, #tpu.memory_space<hbm>>) target(%arg7 : memref<1568xi32, #tpu.memory_space<vmem>>) target_semaphore(%run_scoped3A : memref<!tpu.dma_semaphore, #tpu.memory_space<semaphore_mem>>)
      %dma_wait3A_15 = tpu.memref_slice %arg3[%min3A_3] : memref<50000xi32, #tpu.memory_space<hbm>> -> memref<1568xi32, #tpu.memory_space<hbm>>
      %dma_wait3A_16 = tpu.memref_slice %arg3[%min3A_3] : memref<50000xi32, #tpu.memory_space<hbm>> -> memref<1568xi32, #tpu.memory_space<hbm>>
      tpu.wait_dma2 semaphore(%run_scoped3A : memref<!tpu.dma_semaphore, #tpu.memory_space<semaphore_mem>>) src(%dma_wait3A_16 : memref<1568xi32, #tpu.memory_space<hbm>>) dst(%arg7 : memref<1568xi32, #tpu.memory_space<vmem>>)
      tpu.yield
    }) : () -> ()
    %barrier3A = arith.constant 0 : index
    tpu.barrier barrier_id(%barrier3A)
    %dma_start3A = arith.constant 0 : i32
    %dma_start3A_6 = tpu.memref_slice %arg10[%dma_start3A] : memref<128xf32, #tpu.memory_space<vmem_shared>> -> memref<128xf32, #tpu.memory_space<vmem_shared>>
    tpu.enqueue_indirect_dma source(%dma_start3A_6 : memref<128xf32, #tpu.memory_space<vmem_shared>>) target(%arg8 : memref<1568xf32, #tpu.memory_space<vmem>>) offsets(%arg7 : memref<1568xi32, #tpu.memory_space<vmem>>) semaphore(%arg11 : memref<!tpu.dma_semaphore, #tpu.memory_space<semaphore_mem>>)
    %dma_wait3A = arith.constant 0 : i32
    %dma_wait3A_7 = tpu.memref_slice %arg10[%dma_wait3A] : memref<128xf32, #tpu.memory_space<vmem_shared>> -> memref<128xf32, #tpu.memory_space<vmem_shared>>
    tpu.wait_indirect_dma semaphore(%arg11 : memref<!tpu.dma_semaphore, #tpu.memory_space<semaphore_mem>>) src(%dma_wait3A_7 : memref<128xf32, #tpu.memory_space<vmem_shared>>) dst(%arg8 : memref<1568xf32, #tpu.memory_space<vmem>>)
    %scan3A = arith.constant 0 : i32
    %scan3A_8 = arith.constant 0 : i32
    %scan3A_9 = arith.constant 98 : i32
    %scan3A_10 = arith.addi %scan3A_8, %scan3A_9 : i32
    %scan3A_11 = arith.constant 1 : i32
    scf.for %scan3A_13 = %scan3A_8 to %scan3A_10 step %scan3A_11  : i32 {
      %mul3A_14 = arith.constant 16 : i32
      %mul3A_15 = arith.muli %scan3A_13, %mul3A_14 : i32
      %get3A = arith.index_cast %mul3A_15 : i32 to index
      %get3A_16 = tpu.vector_load %arg6[%get3A] {strides = array<i32>} : memref<1568xf32, #tpu.memory_space<vmem>>, vector<16xf32>,
      %get3A_17 = vector.shape_cast %get3A_16 : vector<16xf32> to vector<16xf32>
      %get3A_18 = arith.index_cast %mul3A_15 : i32 to index
      %get3A_19 = tpu.vector_load %arg8[%get3A_18] {strides = array<i32>} : memref<1568xf32, #tpu.memory_space<vmem>>, vector<16xf32>,
      %get3A_20 = vector.shape_cast %get3A_19 : vector<16xf32> to vector<16xf32>
      %sub3A = arith.subf %get3A_17, %get3A_20 : vector<16xf32>
      %exp3A = math.exp %sub3A : vector<16xf32>
      %swap3A = arith.index_cast %mul3A_15 : i32 to index
      %swap3A_21 = tpu.vector_load %arg9[%swap3A] {strides = array<i32>} : memref<1568xf32, #tpu.memory_space<vmem>>, vector<16xf32>,
      %swap3A_22 = vector.shape_cast %swap3A_21 : vector<16xf32> to vector<16xf32>
      %swap3A_23 = vector.shape_cast %exp3A : vector<16xf32> to vector<16xf32>
      tpu.vector_store %arg9[%swap3A], %swap3A_23 {strides = array<i32>} : memref<1568xf32, #tpu.memory_space<vmem>>, vector<16xf32>,
    }
    %scan3A_12 = arith.constant 98 : i32
    "tpu.region"() ({
      %run_scoped3A = tpu.sem_alloc : memref<!tpu.dma_semaphore, #tpu.memory_space<semaphore_mem>>
      %dma_start3A_13 = tpu.memref_slice %arg5[%min3A_3] : memref<50000xf32, #tpu.memory_space<hbm>> -> memref<1568xf32, #tpu.memory_space<hbm>>
      %dma_start3A_14 = tpu.memref_slice %arg5[%min3A_3] : memref<50000xf32, #tpu.memory_space<hbm>> -> memref<1568xf32, #tpu.memory_space<hbm>>
      tpu.enqueue_dma source(%arg9 : memref<1568xf32, #tpu.memory_space<vmem>>) target(%dma_start3A_14 : memref<1568xf32, #tpu.memory_space<hbm>>) target_semaphore(%run_scoped3A : memref<!tpu.dma_semaphore, #tpu.memory_space<semaphore_mem>>)
      %dma_wait3A_15 = tpu.memref_slice %arg5[%min3A_3] : memref<50000xf32, #tpu.memory_space<hbm>> -> memref<1568xf32, #tpu.memory_space<hbm>>
      %dma_wait3A_16 = tpu.memref_slice %arg5[%min3A_3] : memref<50000xf32, #tpu.memory_space<hbm>> -> memref<1568xf32, #tpu.memory_space<hbm>>
      tpu.wait_dma2 semaphore(%run_scoped3A : memref<!tpu.dma_semaphore, #tpu.memory_space<semaphore_mem>>) src(%arg9 : memref<1568xf32, #tpu.memory_space<vmem>>) dst(%dma_wait3A_16 : memref<1568xf32, #tpu.memory_space<hbm>>)
      tpu.yield
    }) : () -> ()
    return
  }
}

module attributes {stable_mosaic.version = 14 : i64} {
  func.func @_k1_body(%arg0: i32, %arg1: memref<2000x512xf32, #tpu.memory_space<vmem>>, %arg2: memref<1x1x2000xi32, #tpu.memory_space<vmem>>, %arg3: memref<512x768xbf16, #tpu.memory_space<vmem>>, %arg4: memref<1x768xf32, #tpu.memory_space<vmem>>, %arg5: memref<1x256xf32, #tpu.memory_space<vmem>>, %arg6: memref<1x1x2000xf32, #tpu.memory_space<vmem>>, %arg7: memref<1x128xf32, #tpu.memory_space<vmem>>, %arg8: memref<128x512xf32, #tpu.memory_space<vmem>>, %arg9: memref<1x128xf32, #tpu.memory_space<vmem>>, %arg10: memref<1x128xf32, #tpu.memory_space<vmem>>, %arg11: memref<128x512xf32, #tpu.memory_space<vmem>>) attributes {dimension_semantics = [#tpu.dimension_semantics<arbitrary>], iteration_bounds = array<i64: 25>, scalar_prefetch = 0 : i64, scratch_operands = 3 : i64, tpu.core_type = #tpu.core_type<tc>, window_params = [{transform_indices = @transform_0, window_bounds = array<i64: 2000, 512>}, {transform_indices = @transform_1, window_bounds = array<i64: 1, 1, 2000>}, {pipeline_mode = #tpu.pipeline_mode<synchronous>, transform_indices = @transform_2, window_bounds = array<i64: 512, 768>}, {pipeline_mode = #tpu.pipeline_mode<synchronous>, transform_indices = @transform_3, window_bounds = array<i64: 1, 768>}, {pipeline_mode = #tpu.pipeline_mode<synchronous>, transform_indices = @transform_4, window_bounds = array<i64: 1, 256>}, {transform_indices = @transform_5, window_bounds = array<i64: 1, 1, 2000>}, {pipeline_mode = #tpu.pipeline_mode<synchronous>, transform_indices = @transform_6, window_bounds = array<i64: 1, 128>}, {pipeline_mode = #tpu.pipeline_mode<synchronous>, transform_indices = @transform_7, window_bounds = array<i64: 128, 512>}]} {
    %eq3A = arith.constant 0 : i32
    %eq3A_0 = arith.cmpi eq, %arg0, %eq3A : i32
    %convert_element_type3A = arith.extui %eq3A_0 : i1 to i32
    %cond3A = arith.constant 0 : i32
    %cond3A_1 = arith.cmpi ne, %convert_element_type3A, %cond3A : i32
    scf.if %cond3A_1 {
      %broadcast_in_dim3A_91 = arith.constant 0xFF800000 : f32
      %broadcast_in_dim3A_92 = vector.broadcast %broadcast_in_dim3A_91 : f32 to vector<1x128xf32>
      %swap3A_93 = arith.constant 0 : index
      %swap3A_94 = arith.constant 0 : index
      %swap3A_95 = vector.load %arg9[%swap3A_93, %swap3A_94] : memref<1x128xf32, #tpu.memory_space<vmem>>, vector<1x128xf32>
      tpu.vector_store %arg9[%swap3A_93, %swap3A_94], %broadcast_in_dim3A_92 {strides = array<i32>} : memref<1x128xf32, #tpu.memory_space<vmem>>, vector<1x128xf32>,
      %broadcast_in_dim3A_96 = arith.constant 0.000000e+00 : f32
      %broadcast_in_dim3A_97 = vector.broadcast %broadcast_in_dim3A_96 : f32 to vector<1x128xf32>
      %swap3A_98 = arith.constant 0 : index
      %swap3A_99 = arith.constant 0 : index
      %swap3A_100 = vector.load %arg10[%swap3A_98, %swap3A_99] : memref<1x128xf32, #tpu.memory_space<vmem>>, vector<1x128xf32>
      tpu.vector_store %arg10[%swap3A_98, %swap3A_99], %broadcast_in_dim3A_97 {strides = array<i32>} : memref<1x128xf32, #tpu.memory_space<vmem>>, vector<1x128xf32>,
      %broadcast_in_dim3A_101 = arith.constant 0.000000e+00 : f32
      %broadcast_in_dim3A_102 = vector.broadcast %broadcast_in_dim3A_101 : f32 to vector<128x512xf32>
      %swap3A_103 = arith.constant 0 : index
      %swap3A_104 = arith.constant 0 : index
      %swap3A_105 = vector.load %arg11[%swap3A_103, %swap3A_104] : memref<128x512xf32, #tpu.memory_space<vmem>>, vector<128x512xf32>
      tpu.vector_store %arg11[%swap3A_103, %swap3A_104], %broadcast_in_dim3A_102 {strides = array<i32>} : memref<128x512xf32, #tpu.memory_space<vmem>>, vector<128x512xf32>,
    } else {
    }
    %get3A = arith.constant 0 : index
    %get3A_2 = arith.constant 0 : index
    %get3A_3 = vector.load %arg1[%get3A, %get3A_2] : memref<2000x512xf32, #tpu.memory_space<vmem>>, vector<2000x512xf32>
    %convert_element_type3A_4 = arith.truncf %get3A_3 : vector<2000x512xf32> to vector<2000x512xbf16>
    %get3A_5 = arith.constant 0 : index
    %get3A_6 = arith.constant 0 : index
    %get3A_7 = vector.load %arg3[%get3A_5, %get3A_6] : memref<512x768xbf16, #tpu.memory_space<vmem>>, vector<512x768xbf16>
    %dot_general3A = arith.constant dense<0.000000e+00> : vector<2000x768xf32>
    %dot_general3A_8 = tpu.matmul %convert_element_type3A_4, %get3A_7, %dot_general3A {dimension_numbers = #tpu.dot_dimension_numbers<[1], [0], [0], [1], [0, 0, 1, 1], [], []>, transpose_lhs_hint = false} : vector<2000x512xbf16>, vector<512x768xbf16>, vector<2000x768xf32> -> vector<2000x768xf32>
    %get3A_9 = arith.constant 0 : index
    %get3A_10 = arith.constant 0 : index
    %get3A_11 = vector.load %arg4[%get3A_9, %get3A_10] : memref<1x768xf32, #tpu.memory_space<vmem>>, vector<1x768xf32>
    %add3A = vector.broadcast %get3A_11 : vector<1x768xf32> to vector<2000x768xf32>
    %add3A_12 = arith.addf %dot_general3A_8, %add3A : vector<2000x768xf32>
    %max3A = arith.constant 0.000000e+00 : f32
    %max3A_13 = vector.broadcast %max3A : f32 to vector<2000x768xf32>
    %max3A_14 = arith.maximumf %add3A_12, %max3A_13 : vector<2000x768xf32>
    %slice3A = vector.extract_strided_slice %max3A_14 {offsets = [0, 0], sizes = [2000, 256], strides = [1, 1]} : vector<2000x768xf32> to vector<2000x256xf32>
    %slice3A_15 = vector.extract_strided_slice %max3A_14 {offsets = [0, 256], sizes = [2000, 512], strides = [1, 1]} : vector<2000x768xf32> to vector<2000x512xf32>
    %get3A_16 = arith.constant 0 : index
    %get3A_17 = arith.constant 0 : index
    %get3A_18 = vector.load %arg5[%get3A_16, %get3A_17] : memref<1x256xf32, #tpu.memory_space<vmem>>, vector<1x256xf32>
    %mul3A = vector.broadcast %get3A_18 : vector<1x256xf32> to vector<2000x256xf32>
    %mul3A_19 = arith.mulf %slice3A, %mul3A : vector<2000x256xf32>
    %reduce_sum3A = arith.constant dense<0.000000e+00> : vector<2000xf32>
    %reduce_sum3A_20 = vector.multi_reduction <add>, %mul3A_19, %reduce_sum3A [1] : vector<2000x256xf32> to vector<2000xf32>
    %swap3A = arith.constant 0 : index
    %swap3A_21 = arith.constant 0 : index
    %swap3A_22 = arith.constant 0 : index
    %swap3A_23 = vector.load %arg6[%swap3A, %swap3A_21, %swap3A_22] : memref<1x1x2000xf32, #tpu.memory_space<vmem>>, vector<1x1x2000xf32>
    %swap3A_24 = vector.shape_cast %swap3A_23 : vector<1x1x2000xf32> to vector<2000xf32>
    %swap3A_25 = vector.shape_cast %reduce_sum3A_20 : vector<2000xf32> to vector<1x1x2000xf32>
    tpu.vector_store %arg6[%swap3A, %swap3A_21, %swap3A_22], %swap3A_25 {strides = array<i32>} : memref<1x1x2000xf32, #tpu.memory_space<vmem>>, vector<1x1x2000xf32>,
    %get3A_26 = arith.constant 0 : index
    %get3A_27 = arith.constant 0 : index
    %get3A_28 = arith.constant 0 : index
    %get3A_29 = vector.load %arg2[%get3A_26, %get3A_27, %get3A_28] : memref<1x1x2000xi32, #tpu.memory_space<vmem>>, vector<1x1x2000xi32>
    %get3A_30 = vector.shape_cast %get3A_29 : vector<1x1x2000xi32> to vector<2000xi32>
    %broadcast_in_dim3A = vector.shape_cast %get3A_30 : vector<2000xi32> to vector<2000x1xi32>
    %iota3A = tpu.iota {dimensions = array<i32: 1>} : vector<2000x128xi32>
    %eq3A_31 = vector.broadcast %broadcast_in_dim3A : vector<2000x1xi32> to vector<2000x128xi32>
    %eq3A_32 = arith.cmpi eq, %eq3A_31, %iota3A : vector<2000x128xi32>
    %get3A_33 = arith.constant 0 : index
    %get3A_34 = arith.constant 0 : index
    %get3A_35 = vector.load %arg9[%get3A_33, %get3A_34] : memref<1x128xf32, #tpu.memory_space<vmem>>, vector<1x128xf32>
    %squeeze3A = vector.shape_cast %get3A_35 : vector<1x128xf32> to vector<128xf32>
    %broadcast_in_dim3A_36 = vector.shape_cast %reduce_sum3A_20 : vector<2000xf32> to vector<2000x1xf32>
    %jit3A = arith.constant 0xFF800000 : f32
    %broadcast_in_dim3A_37 = vector.shape_cast %broadcast_in_dim3A_36 : vector<2000x1xf32> to vector<2000x1xf32>
    %broadcast_in_dim3A_38 = vector.broadcast %broadcast_in_dim3A_37 : vector<2000x1xf32> to vector<2000x128xf32>
    %broadcast_in_dim3A_39 = vector.broadcast %jit3A : f32 to vector<2000x128xf32>
    %select_n3A = arith.select %eq3A_32, %broadcast_in_dim3A_38, %broadcast_in_dim3A_39 : vector<2000x128xi1>, vector<2000x128xf32>
    %reduce_max3A = arith.constant dense<0xFF800000> : vector<128xf32>
    %reduce_max3A_40 = vector.multi_reduction <maximumf>, %select_n3A, %reduce_max3A [0] : vector<2000x128xf32> to vector<128xf32>
    %max3A_41 = arith.maximumf %squeeze3A, %reduce_max3A_40 : vector<128xf32>
    %gt3A = arith.constant 0xFF800000 : f32
    %gt3A_42 = vector.broadcast %gt3A : f32 to vector<128xf32>
    %gt3A_43 = arith.cmpf ogt, %squeeze3A, %gt3A_42 : vector<128xf32>
    %sub3A = arith.subf %squeeze3A, %max3A_41 : vector<128xf32>
    %exp3A = math.exp %sub3A : vector<128xf32>
    %jit3A_44 = arith.constant 0.000000e+00 : f32
    %broadcast_in_dim3A_45 = vector.broadcast %jit3A_44 : f32 to vector<128xf32>
    %select_n3A_46 = arith.select %gt3A_43, %exp3A, %broadcast_in_dim3A_45 : vector<128xi1>, vector<128xf32>
    %broadcast_in_dim3A_47 = vector.shape_cast %reduce_sum3A_20 : vector<2000xf32> to vector<2000x1xf32>
    %broadcast_in_dim3A_48 = vector.shape_cast %max3A_41 : vector<128xf32> to vector<1x128xf32>
    %sub3A_49 = vector.broadcast %broadcast_in_dim3A_47 : vector<2000x1xf32> to vector<2000x128xf32>
    %sub3A_50 = vector.broadcast %broadcast_in_dim3A_48 : vector<1x128xf32> to vector<2000x128xf32>
    %sub3A_51 = arith.subf %sub3A_49, %sub3A_50 : vector<2000x128xf32>
    %exp3A_52 = math.exp %sub3A_51 : vector<2000x128xf32>
    %jit3A_53 = arith.constant 0.000000e+00 : f32
    %broadcast_in_dim3A_54 = vector.broadcast %jit3A_53 : f32 to vector<2000x128xf32>
    %select_n3A_55 = arith.select %eq3A_32, %exp3A_52, %broadcast_in_dim3A_54 : vector<2000x128xi1>, vector<2000x128xf32>
    %get3A_56 = arith.constant 0 : index
    %get3A_57 = arith.constant 0 : index
    %get3A_58 = vector.load %arg10[%get3A_56, %get3A_57] : memref<1x128xf32, #tpu.memory_space<vmem>>, vector<1x128xf32>
    %squeeze3A_59 = vector.shape_cast %get3A_58 : vector<1x128xf32> to vector<128xf32>
    %mul3A_60 = arith.mulf %squeeze3A_59, %select_n3A_46 : vector<128xf32>
    %reduce_sum3A_61 = arith.constant dense<0.000000e+00> : vector<128xf32>
    %reduce_sum3A_62 = vector.multi_reduction <add>, %select_n3A_55, %reduce_sum3A_61 [0] : vector<2000x128xf32> to vector<128xf32>
    %add3A_63 = arith.addf %mul3A_60, %reduce_sum3A_62 : vector<128xf32>
    %broadcast_in_dim3A_64 = vector.shape_cast %add3A_63 : vector<128xf32> to vector<1x128xf32>
    %swap3A_65 = arith.constant 0 : index
    %swap3A_66 = arith.constant 0 : index
    %swap3A_67 = vector.load %arg10[%swap3A_65, %swap3A_66] : memref<1x128xf32, #tpu.memory_space<vmem>>, vector<1x128xf32>
    tpu.vector_store %arg10[%swap3A_65, %swap3A_66], %broadcast_in_dim3A_64 {strides = array<i32>} : memref<1x128xf32, #tpu.memory_space<vmem>>, vector<1x128xf32>,
    %get3A_68 = arith.constant 0 : index
    %get3A_69 = arith.constant 0 : index
    %get3A_70 = vector.load %arg11[%get3A_68, %get3A_69] : memref<128x512xf32, #tpu.memory_space<vmem>>, vector<128x512xf32>
    %broadcast_in_dim3A_71 = vector.shape_cast %select_n3A_46 : vector<128xf32> to vector<128x1xf32>
    %mul3A_72 = vector.broadcast %broadcast_in_dim3A_71 : vector<128x1xf32> to vector<128x512xf32>
    %mul3A_73 = arith.mulf %get3A_70, %mul3A_72 : vector<128x512xf32>
    %convert_element_type3A_74 = arith.truncf %select_n3A_55 : vector<2000x128xf32> to vector<2000x128xbf16>
    %convert_element_type3A_75 = arith.truncf %slice3A_15 : vector<2000x512xf32> to vector<2000x512xbf16>
    %dot_general3A_76 = arith.constant dense<0.000000e+00> : vector<128x512xf32>
    %dot_general3A_77 = tpu.matmul %convert_element_type3A_74, %convert_element_type3A_75, %dot_general3A_76 {dimension_numbers = #tpu.dot_dimension_numbers<[0], [0], [1], [1], [0, 1, 1, 1], [], []>, transpose_lhs_hint = false} : vector<2000x128xbf16>, vector<2000x512xbf16>, vector<128x512xf32> -> vector<128x512xf32>
    %add3A_78 = arith.addf %mul3A_73, %dot_general3A_77 : vector<128x512xf32>
    %swap3A_79 = arith.constant 0 : index
    %swap3A_80 = arith.constant 0 : index
    %swap3A_81 = vector.load %arg11[%swap3A_79, %swap3A_80] : memref<128x512xf32, #tpu.memory_space<vmem>>, vector<128x512xf32>
    tpu.vector_store %arg11[%swap3A_79, %swap3A_80], %add3A_78 {strides = array<i32>} : memref<128x512xf32, #tpu.memory_space<vmem>>, vector<128x512xf32>,
    %broadcast_in_dim3A_82 = vector.shape_cast %max3A_41 : vector<128xf32> to vector<1x128xf32>
    %swap3A_83 = arith.constant 0 : index
    %swap3A_84 = arith.constant 0 : index
    %swap3A_85 = vector.load %arg9[%swap3A_83, %swap3A_84] : memref<1x128xf32, #tpu.memory_space<vmem>>, vector<1x128xf32>
    tpu.vector_store %arg9[%swap3A_83, %swap3A_84], %broadcast_in_dim3A_82 {strides = array<i32>} : memref<1x128xf32, #tpu.memory_space<vmem>>, vector<1x128xf32>,
    %eq3A_86 = arith.constant 24 : i32
    %eq3A_87 = arith.cmpi eq, %arg0, %eq3A_86 : i32
    %convert_element_type3A_88 = arith.extui %eq3A_87 : i1 to i32
    %cond3A_89 = arith.constant 0 : i32
    %cond3A_90 = arith.cmpi ne, %convert_element_type3A_88, %cond3A_89 : i32
    scf.if %cond3A_90 {
      %get3A_91 = arith.constant 0 : index
      %get3A_92 = arith.constant 0 : index
      %get3A_93 = vector.load %arg10[%get3A_91, %get3A_92] : memref<1x128xf32, #tpu.memory_space<vmem>>, vector<1x128xf32>
      %get3A_94 = arith.constant 0 : index
      %get3A_95 = arith.constant 0 : index
      %get3A_96 = vector.load %arg9[%get3A_94, %get3A_95] : memref<1x128xf32, #tpu.memory_space<vmem>>, vector<1x128xf32>
      %log3A = math.log %get3A_93 : vector<1x128xf32>
      %add3A_97 = arith.addf %get3A_96, %log3A : vector<1x128xf32>
      %swap3A_98 = arith.constant 0 : index
      %swap3A_99 = arith.constant 0 : index
      %swap3A_100 = vector.load %arg7[%swap3A_98, %swap3A_99] : memref<1x128xf32, #tpu.memory_space<vmem>>, vector<1x128xf32>
      tpu.vector_store %arg7[%swap3A_98, %swap3A_99], %add3A_97 {strides = array<i32>} : memref<1x128xf32, #tpu.memory_space<vmem>>, vector<1x128xf32>,
      %squeeze3A_101 = vector.shape_cast %get3A_93 : vector<1x128xf32> to vector<128xf32>
      %broadcast_in_dim3A_102 = vector.shape_cast %squeeze3A_101 : vector<128xf32> to vector<128x1xf32>
      %gt3A_103 = arith.constant 0.000000e+00 : f32
      %gt3A_104 = vector.broadcast %gt3A_103 : f32 to vector<128x1xf32>
      %gt3A_105 = arith.cmpf ogt, %broadcast_in_dim3A_102, %gt3A_104 : vector<128x1xf32>
      %get3A_106 = arith.constant 0 : index
      %get3A_107 = arith.constant 0 : index
      %get3A_108 = vector.load %arg11[%get3A_106, %get3A_107] : memref<128x512xf32, #tpu.memory_space<vmem>>, vector<128x512xf32>
      %div3A = vector.broadcast %broadcast_in_dim3A_102 : vector<128x1xf32> to vector<128x512xf32>
      %div3A_109 = arith.divf %get3A_108, %div3A : vector<128x512xf32>
      %jit3A_110 = arith.constant 0.000000e+00 : f32
      %broadcast_in_dim3A_111 = vector.shape_cast %gt3A_105 : vector<128x1xi1> to vector<128x1xi1>
      %broadcast_in_dim3A_112 = vector.broadcast %broadcast_in_dim3A_111 : vector<128x1xi1> to vector<128x512xi1>
      %broadcast_in_dim3A_113 = vector.broadcast %jit3A_110 : f32 to vector<128x512xf32>
      %select_n3A_114 = arith.select %broadcast_in_dim3A_112, %div3A_109, %broadcast_in_dim3A_113 : vector<128x512xi1>, vector<128x512xf32>
      %swap3A_115 = arith.constant 0 : index
      %swap3A_116 = arith.constant 0 : index
      %swap3A_117 = vector.load %arg8[%swap3A_115, %swap3A_116] : memref<128x512xf32, #tpu.memory_space<vmem>>, vector<128x512xf32>
      tpu.vector_store %arg8[%swap3A_115, %swap3A_116], %select_n3A_114 {strides = array<i32>} : memref<128x512xf32, #tpu.memory_space<vmem>>, vector<128x512xf32>,
    } else {
    }
    return
  }
  func.func @transform_0(%arg0: i32) -> (i32, i32) {
    %c0_i32 = arith.constant 0 : i32
    %c0_i32_0 = arith.constant 0 : i32
    return %arg0, %c0_i32 : i32, i32
  }
  func.func @transform_1(%arg0: i32) -> (i32, i32, i32) {
    %c0_i32 = arith.constant 0 : i32
    %c0_i32_0 = arith.constant 0 : i32
    %c0_i32_1 = arith.constant 0 : i32
    return %arg0, %c0_i32, %c0_i32_0 : i32, i32, i32
  }
  func.func @transform_2(%arg0: i32) -> (i32, i32) {
    %c0_i32 = arith.constant 0 : i32
    %c0_i32_0 = arith.constant 0 : i32
    %c0_i32_1 = arith.constant 0 : i32
    return %c0_i32, %c0_i32_0 : i32, i32
  }
  func.func @transform_3(%arg0: i32) -> (i32, i32) {
    %c0_i32 = arith.constant 0 : i32
    %c0_i32_0 = arith.constant 0 : i32
    %c0_i32_1 = arith.constant 0 : i32
    return %c0_i32, %c0_i32_0 : i32, i32
  }
  func.func @transform_4(%arg0: i32) -> (i32, i32) {
    %c0_i32 = arith.constant 0 : i32
    %c0_i32_0 = arith.constant 0 : i32
    %c0_i32_1 = arith.constant 0 : i32
    return %c0_i32, %c0_i32_0 : i32, i32
  }
  func.func @transform_5(%arg0: i32) -> (i32, i32, i32) {
    %c0_i32 = arith.constant 0 : i32
    %c0_i32_0 = arith.constant 0 : i32
    %c0_i32_1 = arith.constant 0 : i32
    return %arg0, %c0_i32, %c0_i32_0 : i32, i32, i32
  }
  func.func @transform_6(%arg0: i32) -> (i32, i32) {
    %c0_i32 = arith.constant 0 : i32
    %c0_i32_0 = arith.constant 0 : i32
    %c0_i32_1 = arith.constant 0 : i32
    return %c0_i32, %c0_i32_0 : i32, i32
  }
  func.func @transform_7(%arg0: i32) -> (i32, i32) {
    %c0_i32 = arith.constant 0 : i32
    %c0_i32_0 = arith.constant 0 : i32
    %c0_i32_1 = arith.constant 0 : i32
    return %c0_i32, %c0_i32_0 : i32, i32
  }
}

</mosaic_0001>

<sc_bundles>
// kernel: kernel.4.cloned.1.call-start
scs
__scs_entry_jumppad:
0x0: {  	(pc) =	sbr.rel $0x88, $3  }
0x1: {  	(tag) =	ssettag $0x0;
	lr =	simm.s32 $0x1  }
0x2: {  	[smem:$0x3F9A] =	sst lr;
	_ =	strace $0xD0000000  }
0x3: {  	_ = 	snop  }
0x4: {  	_ = 	snop  }
0x5: {  	_ = 	snop  }
0x6: {  	_ = 	snop  }
0x7: {  	_ = 	snop  }
__scs_overlays_trampoline_lowered:
0x8: {  	[smem:$0x3FA9] =	sst s0  }
0x9: {  	[smem:$0x3FAA] =	sst s1  }
0xa: {  	[smem:$0x3FAB] =	sst s2  }
0xb: {  	[smem:$0x3FAC] =	sst s3  }
0xc: {  	[smem:$0x3FAD] =	sst s4  }
0xd: {  	[smem:$0x3FAE] =	sst s5  }
0xe: {  	[smem:$0x3FAF] =	sst s6  }
0xf: {  	[smem:$0x3FB0] =	sst s7  }
0x10: {  	[smem:$0x3FB1] =	sst s8  }
0x11: {  	[smem:$0x3FB2] =	sst s9;
	s0 =	simm.s32 @!p0 $0x0  }
0x12: {  	s1 =	sld [smem:$0x3F98];
	s0 =	simm.s32 @p0 $0x1  }
0x13: {  	[smem:$0x3FB3] =	sst s0;
	s0 =	simm.s32 @!p1 $0x0  }
0x14: {  	s2 =	sld [smem:$0x3F97];
	s0 =	simm.s32 @p1 $0x1  }
0x15: {  	[smem:$0x3FB4] =	sst s0;
	s0 =	simm.s32 @!p2 $0x0  }
0x16: {  	s3 =	sld [smem:$0x3FDB];
	s0 =	simm.s32 @p2 $0x1  }
0x17: {  	s4 =	simm.s32 $0x1BF5;
	[smem:$0x3FB6] =	sst s0  }
0x18: {  	s0 =	sld [smem:$0x3F99];
	_ =	swait.ge [sflag:s4], $0x0  }
0x19: {  	s7 =	sld [smem:$0x3F9A]  }
0x1a: {  	s8 =	sadd.s32 $0xFFFFE003, lr  }
0x1b: {  	s9 =	sadd.s32 $0xFFFFFEF7, lr;
	s5 =	simm.s32 $0xFFFFFFFF;
	p2 =	slt.u32 s8, $0xFFFFF086  }
0x1c: {  	p1 =	slt.u32 s9, $0xF7A;
	s5 =	simm.s32 @!p2 $0x0  }
0x1d: {  	s5 =	simm.s32 @p1 $0x1;
	p0 =	seq.s32 s7, s2  }
0x1e: {  	s7 =	smul.u32 @!p0 $0xF7A, s2;
	p2 =	seq.s32 @!p0 s5, $0x0  }
0x1f: {  	s9 =	smul.u32 $0xF7A, s1;
	s8 =	simm.s32 @!p0 $0x1BF5;
	p2 =	por !p2, p0  }
0x20: {  	[sflag:s8] =	ssyncset.s32 @!p0 $0xFFFFF086;
	s6 =	sadd.s32 @!p0 s3, s7;
	s7 =	simm.s32 @!p0 $0x108  }
0x21: {  	s3 =	sadd.s32 s3, s9;
	s6 =	sadd.s32 @!p0 $0x88, s6;
	s7 =	simm.s32 @p2 $0x1082  }
0x22: {  	[simem:s7], [sflag:s8] =	dma.local @!p0 [hbm:s6], $0xF7A  }
0x23: {  	s9 =	sor.u32 $0xD0000000, s2;
	s6 =	simm.s32 $0x108;
	_ =	swait.ge @!p0 [sflag:s8], $0x0  }
0x24: {  	s3 =	sadd.s32 $0x88, s3;
	s6 =	simm.s32 @!p1 $0x1082;
	[sflag:s4] =	ssyncset.s32 $0xFFFFF086  }
0x25: {  	[simem:s6], [sflag:s4] =	dma.local [hbm:s3], $0xF7A  }
0x26: {  	[smem:$0x3F9A] =	sst s1;
	(tag) =	ssettag s2;
	_ =	strace s9  }
0x27: {  	s1 =	sld [smem:$0x3FAA]  }
0x28: {  	s2 =	sld [smem:$0x3FAB]  }
0x29: {  	s4 =	sld [smem:$0x3FAD]  }
0x2a: {  	p0 =	seq.s32 s5, $0x0;
	s5 =	sld [smem:$0x3FAE]  }
0x2b: {  	s6 =	sld [smem:$0x3FAF]  }
0x2c: {  	s7 =	sld [smem:$0x3FB0]  }
0x2d: {  	s3 =	simm.s32 $0x108;
	s8 =	sld [smem:$0x3FB1]  }
0x2e: {  	s3 =	simm.s32 @!p0 $0x1082;
	s9 =	sld [smem:$0x3FB2]  }
0x2f: {  	lr =	sadd.s32 s0, s3;
	s0 =	sld [smem:$0x3FA9]  }
0x30: {  	s3 =	sld [smem:$0x3FAC]  }
0x31: {  	[smem:$0x3FB5] =	sst s10  }
0x32: {  	s10 =	sld [smem:$0x3FB3];
	_ =	sdelay $0x3  }
0x33: {  	p0 =	seq.s32 s10, $0x1;
	s10 =	sld [smem:$0x3FB5];
	_ =	sdelay $0x3  }
0x34: {  	[smem:$0x3FB5] =	sst s10  }
0x35: {  	s10 =	sld [smem:$0x3FB4];
	_ =	sdelay $0x3  }
0x36: {  	p1 =	seq.s32 s10, $0x1;
	s10 =	sld [smem:$0x3FB5];
	_ =	sdelay $0x3  }
0x37: {  	[smem:$0x3FB5] =	sst s10  }
0x38: {  	s10 =	sld [smem:$0x3FB6]  }
0x39: {  	_ = 	snop;
	(pc) =	sbr.ind lr, $3  }
0x3a: {  	_ = 	snop  }
0x3b: {  	_ = 	snop  }
0x3c: {  	p2 =	seq.s32 s10, $0x1;
	s10 =	sld [smem:$0x3FB5]  }
0x3d: {  	_ =	shalt  }
0x3e: {  	_ =	shalt  }
0x3f: {  	_ =	shalt  }
0x40: {  	_ =	shalt  }
0x41: {  	_ =	shalt  }
0x42: {  	_ =	shalt  }
0x43: {  	_ =	shalt  }
0x44: {  	_ =	shalt  }
0x45: {  	_ =	shalt  }
0x46: {  	_ =	shalt  }
0x47: {  	_ =	shalt  }
0x48: {  	_ =	shalt  }
0x49: {  	_ =	shalt  }
0x4a: {  	_ =	shalt  }
0x4b: {  	_ =	shalt  }
0x4c: {  	_ =	shalt  }
0x4d: {  	_ =	shalt  }
0x4e: {  	_ =	shalt  }
0x4f: {  	_ =	shalt  }
0x50: {  	_ =	shalt  }
0x51: {  	_ =	shalt  }
0x52: {  	_ =	shalt  }
0x53: {  	_ =	shalt  }
0x54: {  	_ =	shalt  }
0x55: {  	_ =	shalt  }
0x56: {  	_ =	shalt  }
0x57: {  	_ =	shalt  }
0x58: {  	_ =	shalt  }
0x59: {  	_ =	shalt  }
0x5a: {  	_ =	shalt  }
0x5b: {  	_ =	shalt  }
0x5c: {  	_ =	shalt  }
0x5d: {  	_ =	shalt  }
0x5e: {  	_ =	shalt  }
0x5f: {  	_ =	shalt  }
0x60: {  	_ =	shalt  }
0x61: {  	_ =	shalt  }
0x62: {  	_ =	shalt  }
0x63: {  	_ =	shalt  }
0x64: {  	_ =	shalt  }
0x65: {  	_ =	shalt  }
0x66: {  	_ =	shalt  }
0x67: {  	_ =	shalt  }
0x68: {  	_ =	shalt  }
0x69: {  	_ =	shalt  }
0x6a: {  	_ =	shalt  }
0x6b: {  	_ =	shalt  }
0x6c: {  	_ =	shalt  }
0x6d: {  	_ =	shalt  }
0x6e: {  	_ =	shalt  }
0x6f: {  	_ =	shalt  }
0x70: {  	_ =	shalt  }
0x71: {  	_ =	shalt  }
0x72: {  	_ =	shalt  }
0x73: {  	_ =	shalt  }
0x74: {  	_ =	shalt  }
0x75: {  	_ =	shalt  }
0x76: {  	_ =	shalt  }
0x77: {  	_ =	shalt  }
0x78: {  	_ =	shalt  }
0x79: {  	_ =	shalt  }
0x7a: {  	_ =	shalt  }
0x7b: {  	_ =	shalt  }
0x7c: {  	_ =	shalt  }
0x7d: {  	_ =	shalt  }
0x7e: {  	_ =	shalt  }
0x7f: {  	_ =	shalt  }
0x80: {  	_ =	shalt  }
0x81: {  	_ =	shalt  }
0x82: {  	_ =	shalt  }
0x83: {  	_ =	shalt  }
0x84: {  	_ =	shalt  }
0x85: {  	_ =	shalt  }
0x86: {  	_ =	shalt  }
0x87: {  	_ =	shalt  }
.Lfunc_end0:
.L_simem_size_0:
called_computation_lowered:
.L_overlay_start_0:
0x88: {  	s2 =	sld [smem:$0x3FD9]  }
0x89: {  	s3 =	sld [smem:$0x3FFE];
	_ =	sdelay $0x1  }
0x8a: {  	s1 =	srdreg.scid  }
0x8b: {  	s0 =	sand.u32 $0x1, s1  }
0x8c: {  	s14 =	sshll.u32 s0, $0xA;
	s2 =	sadd.s32 s3, s2  }
0x8d: {  	s2 =	sadd.s32 s2, s14  }
0x8e: {  	[smem:$0x3FC1] =	sst s2  }
0x8f: {  	_ = 	snop  }
0x90: {  	s2 =	sld [smem:$0x3FD0];
	_ =	sdelay $0x2  }
0x91: {  	s4 =	simm.s32 $0xA;
	s5 =	simm.s32 $0x10;
	s15 =	sld [smem:$0x3FC8]  }
0x92: {  	[smem:s5], [sflag:s4] =	dma.local [hbm:s2], $0x1  }
0x93: {  	_ =	swait.eq [sflag:s4], $0x1  }
0x94: {  	[sflag:s4] =	ssyncset.done $0x0  }
0x95: {  	[sflag:s4] =	ssyncadd.s32 $0xFFFFFFFF  }
0x96: {  	s16 =	sld [smem:$0x11];
	(tm) =	ssettm $0x1  }
0x97: {  	s17 =	sld [smem:$0x3FFB];
	_ =	sdelay $0x3  }
0x98: {  	_ =	strace s17  }
0x99: {  	s4 =	sld [smem:$0x3FFC];
	_ =	sdelay $0x3  }
0x9a: {  	_ =	strace s4  }
0x9b: {  	s4 =	sld [smem:$0x3FFD];
	_ =	sdelay $0x3  }
0x9c: {  	_ =	strace s4  }
0x9d: {  	_ =	strace $0x8FFFFFFF  }
0x9e: {  	s18 =	sld [smem:$0x3FDB];
	_ =	sdelay $0x1  }
0x9f: {  	s19 =	simm.s32 $_scs_section_size  }
0xa0: {  	s6 =	simm.s32 $_size__tile_overlayer_lowered;
	s7 =	simm.s32 $_tile_overlayer_lowered  }
0xa1: {  	s22 =	simm.s32 $0x1BFF;
	s21 =	sshll.u32 s7, $0x1;
	s4 =	sadd.s32 s19, s18  }
0xa2: {  	s8 =	simm.s32 $0x0;
	s20 =	sshll.u32 s6, $0x1;
	s6 =	sadd.s32 s21, s4  }
0xa3: {  	[timem:s8], [sflag:s22] =	dma.local [hbm:s6], s20  }
0xa4: {  	_ =	swait.ge [sflag:s22], s20  }
0xa5: {  	s5 =	ssub.s32 $0x0, s20;
	[sflag:s22] =	ssyncset.done $0x0  }
0xa6: {  	[sflag:s22] =	ssyncadd.s32 s5;
	_ =	sdelay $0x1  }
0xa7: {  	s23 =	simm.s32 $0x1B8B  }
0xa8: {  	_ =	swait.ge [sflag:s23], $0x1  }
0xa9: {  	[sflag:s23] =	ssyncset.done $0x0  }
0xaa: {  	s25 =	simm.s32 $0x1B8E;
	s24 =	sld [smem:$0x3FFE];
	[sflag:s23] =	ssyncadd.s32 $0xFFFFFFFF  }
0xab: {  	s26 =	simm.s32 $execute0_lowered;
	[smem:$0x3FD2] =	sst s25  }
0xac: {  	s6 =	sshll.u32 s26, $0x1;
	_ =	strace $0x80000046;
	[dreg:$0x1] =	wrdreg $0xFFFFFFFF  }
0xad: {  	s28 =	simm.s32 $_size_execute0_lowered;
	s4 =	sadd.s32 s4, s6;
	[dreg:$0x0] =	wrdreg $0x0  }
0xae: {  	s6 =	sshll.u32 s28, $0x1;
	[dreg:$0x2] =	wrdreg s4  }
0xaf: {  	[dreg:$0x3] =	wrdreg s6  }
0xb0: {  	[dreg:$0x4] =	wrdreg $0xC0  }
0xb1: {  	_ =	task [dreg:s8], $0x5FFFF  }
0xb2: {  	[dreg:$0x1] =	wrdreg $0xFFFFFFFF  }
0xb3: {  	[dreg:$0x0] =	wrdreg $0x60  }
0xb4: {  	[dreg:$0x2] =	wrdreg s24  }
0xb5: {  	[dreg:$0x3] =	wrdreg s15  }
0xb6: {  	[dreg:$0x4] =	wrdreg s16  }
0xb7: {  	[dreg:$0x5] =	wrdreg $0x1A000  }
0xb8: {  	[dreg:$0x6] =	wrdreg $0x9  }
0xb9: {  	_ =	task.clear_ibuf [dreg:s8], $0x7FFFF;
	_ =	strace $0x90000046  }
0xba: {  	s29 =	simm.s32 $0x9;
	_ =	strace $0x80000048  }
0xbb: {  	_ =	swait.ge [sflag:s29], $0x1  }
0xbc: {  	[sflag:s29] =	ssyncadd.s32 $0xFFFFFFFF  }
0xbd: {  	_ =	strace $0x90000048  }
0xbe: {  	_ =	sfence  }
0xbf: {  	s30 =	sld [smem:$0x0];
	_ =	sdelay $0x2  }
0xc0: {  	s31 =	sshll.u32 s1, $0xD;
	s1 =	sshrl.u32 s1, $0x2  }
0xc1: {  	s3 =	sand.u32 $0x4000, s31;
	s1 =	sadd.s32 s1, s30  }
0xc2: {  	s0 =	sor.u32 s3, s0;
	s1 =	sshll.u32 s1, $0x11  }
0xc3: {  	s0 =	sor.u32 s1, s0  }
0xc4: {  	s0 =	sadd.s32 $0x8F2B, s0  }
0xc5: {  	[sflag:s0] =	ssyncadd.remote.s32 $0x1  }
0xc6: {  	_ =	sfence.sel $0xFFFF  }
0xc7: {  	[dreg:$0x0] =	wrdreg $0xFFFFFFFF;
	(pc) =	sbr.abs _section_cstart, $3  }
0xc8: {  	[dreg:$0x1] =	wrdreg $0xFFFFFFFF  }
0xc9: {  	_ =	task.clear_ibuf [dreg:s8], $0x2FFFF;
	_ =	strace $0x9FFFFFFF  }
0xca: {  	(tm) =	ssettm $0x7FFFFFFF  }
0xcb: {  	_ =	shalt  }
tec
execute0_lowered:
.L_overlay_start_1:
0x0: {  	(tag) =	ssettag $0x1  }
0x1: {  	s3 =	rddreg [dreg:$0x0]  }
0x2: {  	s5 =	rddreg [dreg:$0x1]  }
0x3: {  	s0 =	srdreg.scid;
	s6 =	rddreg [dreg:$0x2]  }
0x4: {  	s7 =	stileid.u32;
	s1 =	rddreg [dreg:$0x3];
	s2 =	simm.s32 $0x0  }
0x5: {  	s11 =	simm.s32 $0x620;
	s4 =	sand.u32 $0x1, s0;
	s31 =	sshll.u32 s7, $0x1  }
0x6: {  	s12 =	simm.s32 $0xD00;
	s13 =	simm.s32 $0x1;
	s0 =	sor.u32 s4, s31  }
0x7: {  	s14 =	simm.s32 $0x1380;
	s15 =	simm.s32 $0x0;
	s8 =	smul.u32 $0x620, s0  }
0x8: {  	[smem:$0x7FF] =	sst s2;
	p0 =	sne.s32 s7, $0x0;
	s4 =	ssub.s32 $0x2, s4  }
0x9: {  	s0 =	rddreg [dreg:$0x4];
	s10 =	sshrl.u32 s4, $0x1;
	s8 =	smin.u32 s8, $0xBD30  }
0xa: {  	_ =	strace $0x80000047;
	s10 =	ssub.s32 s4, s10;
	s8 =	sshrl.u32 s8, $0x3  }
0xb: {  	s7 =	smax.u32 s10, $0x1;
	s10 =	simm.s32 $0x680;
	s9 =	sadd.s32 s8, s3  }
0xc: {  	s3 =	sadd.s32 $0xE00, s3;
	s5 =	sadd.s32 s5, s8;
	s6 =	sadd.s32 s6, s8  }
0xd: {  	s8 =	sshrl.u32 @!p0 s1, $0x3;
	s4 =	sadd.s32 $0x1000, s9;
	s9 =	simm.s32 $0x2  }
.LBB2_1:
0xe: {  	s16 =	simm.s32 @!p0 $0x1C02  }
0xf: {  	[spmem:s8], [sflag:s16] =	dma.local @!p0 [hbm:s3], $0x10  }
0x10: {  	s16 =	simm.s32 @!p0 $0x2  }
0x11: {  	_ =	swait.ge @!p0 [sflag:s16], $0x10  }
0x12: {  	[sflag:s16] =	ssyncset.done @!p0 $0x0  }
0x13: {  	[sflag:s16] =	ssyncadd.s32 @!p0 $0xFFFFFFF0  }
0x14: {  	[tilespmem:s2], [sflag:$0x2] =	stream.linear.gather [hbm4b:s4+s2], $0x620, $0x38;
	[tilespmem:$0x1A08] =	vst v63  }
0x15: {  	_ =	swait.ge [sflag:s9], $0x620  }
0x16: {  	[sflag:s9] =	ssyncset.done $0x0  }
0x17: {  	[sflag:s9] =	ssyncadd.s32 $0xFFFFF9E0  }
0x18: {  	[tilespmem:s10], [sflag:$0x2] =	stream.linear.gather [hbm4b:s5+s2], $0x620, $0x38;
	[tilespmem:$0x1A08] =	vst v63  }
0x19: {  	_ =	swait.ge [sflag:s9], $0x620  }
0x1a: {  	[sflag:s9] =	ssyncset.done $0x0  }
0x1b: {  	[sflag:s9] =	ssyncadd.s32 $0xFFFFF9E0  }
0x1c: {  	[bflag:$0x0] =	sbarrier.arrive $0xFFFF  }
0x1d: {  	[tilespmem:s12], [sflag:$0x1] =	stream.indirect.gather [spmem:s1], $0x1, s10, s11, $0xb8;
	[tilespmem:$0x1A08] =	vst v63  }
0x1e: {  	_ =	swait.ge [sflag:s13], $0x620  }
0x1f: {  	[sflag:s13] =	ssyncset.done $0x0  }
0x20: {  	s16 =	simm.s32 $0x0;
	[sflag:s13] =	ssyncadd.s32 $0xFFFFF9E0  }
0x21: {  	v0 =	vld [tilespmem:s16+$0x0]  }
0x22: {  	v1 =	vld [tilespmem:s16+$0xD00]  }
0x23: {  	s17 =	simm.s32 $0x10  }
0x24: {  	v2 =	vld [tilespmem:s17+$0x0]  }
0x25: {  	v3 =	vld [tilespmem:s17+$0xD00];
	_ =	sdelay $0x1  }
0x26: {  	v0 =	vsub.f32 v0, v1;
	_ =	sdelay $0x1  }
0x27: {  	v0 =	vmul.f32 $1.442695020e+00, v0  }
0x28: {  	v1 =	vsub.f32 v2, v3  }
0x29: {  	(erf) = vpow2.f32 v0  }
0x2a: {  	s18 =	simm.s32 $0x20;
	v2 =	vmul.f32 $1.442695020e+00, v1  }
0x2b: {  	v1 =	vld [tilespmem:s18+$0xD00]  }
0x2c: {  	v0 =	vld [tilespmem:s18+$0x0];
	(erf) = vpow2.f32 v2;
	_ =	sdelay $0x2  }
0x2d: {  	s19 =	simm.s32 $0xC0  }
.LBB2_2:
0x2e: {  	s20 =	sshra.s32 s19, $0x2;
	p1 =	sne.s32 s19, $0x1840  }
.Ltmp0:
0x2f: {  	s19 =	sadd.s32 $0x40, s19;
	v2 =	vsub.f32 v0, v1;
	v0 =	vld [tilespmem:s20+$0x0];
	(pc) =	sbr.rel @p1 .LBB2_2-.Ltmp0, $4  }
0x30: {  	v1 =	vld [tilespmem:s20+$0xD00];
	v3 =	vpop (erf)  }
0x31: {  	v2 =	vmul.f32 $1.442695020e+00, v2;
	[tilespmem:s16+$0x1380] =	vst v3;
	s16 =	smov.u32 s17;
	s17 =	smov.u32 s18;
	s18 =	smov.u32 s20  }
0x32: {  	_ = 	snop  }
0x33: {  	(erf) = vpow2.f32 v2  }
0x34: {  	_ = 	snop  }
0x35: {  	v0 =	vsub.f32 v0, v1;
	_ =	sdelay $0x1  }
0x36: {  	v0 =	vmul.f32 $1.442695020e+00, v0;
	_ =	sdelay $0x1  }
0x37: {  	(erf) = vpow2.f32 v0;
	_ =	sdelay $0x6  }
0x38: {  	v61 =	vpop (erf)  }
0x39: {  	s15 =	sadd.s32 $0x1, s15;
	[tilespmem:s16+$0x1380] =	vst v61;
	v62 =	vpop (erf)  }
0x3a: {  	p1 =	sne.s32 s15, s7;
	[tilespmem:s17+$0x1380] =	vst v62;
	v63 =	vpop (erf)  }
.Ltmp1:
0x3b: {  	[tilespmem:s18+$0x1380] =	vst v63;
	(pc) =	sbr.rel @p1 .LBB2_1-.Ltmp1, $4  }
0x3c: {  	[hbm4b:s6+s2] =	stream.linear.scatter [tilespmem:s14], [sflag:$0x2], $0x620, $0x38;
	[tilespmem:$0x1A08] =	vst v63  }
0x3d: {  	_ =	swait.ge [sflag:s9], $0x620  }
0x3e: {  	[sflag:s9] =	ssyncset.done $0x0  }
0x3f: {  	[sflag:s9] =	ssyncadd.s32 $0xFFFFF9E0  }
0x40: {  	_ =	sfence.sel $0x180000  }
0x41: {  	[bflag:$0x0] =	sbarrier.arrive $0xFFFF  }
0x42: {  	_ =	strace $0x90000047  }
0x43: {  	s0 =	sadd.s32 @!p0 $0x100000, s0;
	[bflag:$0x2] =	sbarrier.arrive $0xFFFF  }
0x44: {  	[sflag:s0] =	ssyncadd.tile.s32 @!p0 $0x1;
	_ =	shalt  }
.Lfunc_end2:
_tile_overlayer_lowered:
.L_overlay_start_2:
0x45: {  	(tag) =	ssettag $0x2  }
0x46: {  	s0 =	rddreg [dreg:$0x0];
	s2 =	stileid.u32  }
0x47: {  	s1 =	rddreg [dreg:$0x1];
	p0 =	sne.s32 s2, $0x0  }
0x48: {  	s3 =	rddreg [dreg:$0x2];
	[bflag:$0x3] =	sbarrier.arrive $0xFFFF;
	s2 =	simm.s32 @!p0 $0x1C02  }
0x49: {  	[timem:s3], [sflag:s2] =	dma.local @!p0 [hbm:s0], s1  }
0x4a: {  	s0 =	simm.s32 @!p0 $0x2  }
0x4b: {  	_ =	swait.ge @!p0 [sflag:s0], s1  }
0x4c: {  	s1 =	ssub.s32 @!p0 $0x0, s1;
	[sflag:s0] =	ssyncset.done @!p0 $0x0  }
0x4d: {  	[sflag:s0] =	ssyncadd.s32 @!p0 s1  }
0x4e: {  	[bflag:$0x3] =	sbarrier.arrive $0xFFFF  }
0x4f: {  	_ =	shalt  }

</sc_bundles>
